<compile_context>
chip_gen: v7x
topology: tpu7x:2x2x1
jax: 0.10.2.dev20260603
libtpu: 0.0.44.dev20260713+nightly
codegen_flags: <defaults>
</compile_context>

<pallas_src>
import functools

import jax
import jax.numpy as jnp
from jax import lax
from jax.experimental import pallas as pl
from jax.experimental.pallas import tpu as pltpu
from jax.experimental.pallas import tpu_sc as plsc

_B = 4096
_F = 136
_K = _F // 2
_G = 250
_IMG = _G * _G
_N = _B * _IMG
_NC = 2
_NS = 16
_NW = _NC * _NS
_SPT = _B // _NW
_CHUNK = 128
_NCHUNKS = _SPT * _K // _CHUNK

_BS_IDX = 256
_ZR = 64


def _idx_body(xa_ref, xb_ref, idx_ref):
    g = pl.program_id(0)
    xa = xa_ref[...]
    xb = xb_ref[...]
    s = jnp.sum(xa * xa + xb * xb, axis=1, keepdims=True)
    norm = jnp.maximum(jnp.sqrt(s), 1e-12)
    ia = jnp.round(xa / norm * 250.0).astype(jnp.int32) + 125
    ib = jnp.round(xb / norm * 250.0).astype(jnp.int32) + 125
    row = g * _BS_IDX + lax.broadcasted_iota(jnp.int32, (_BS_IDX, _K), 0)
    flat = row * _IMG + ia * _G + ib
    valid = (ia >= 0) & (ia < _G) & (ib >= 0) & (ib < _G)
    cand = jnp.where(valid, flat, jnp.int32(2**30))
    rowmin = jnp.min(cand, axis=1, keepdims=True)
    rowmin = jnp.minimum(rowmin, jnp.int32(_N - 1))
    idx_ref[...] = jnp.where(valid, flat, jnp.broadcast_to(rowmin, flat.shape))


def _zero_body(z_ref):
    z_ref[...] = jnp.zeros((_ZR, 16000), jnp.float32)


def _sc_body(out_ref, idx_ref, idx_v, ones_v, sem):
    wid = lax.axis_index("c") * _NS + lax.axis_index("s")
    for i in range(8):
        ones_v[pl.ds(i * 16, 16)] = jnp.full((16,), 1.0, jnp.float32)
    pltpu.sync_copy(idx_ref.at[wid], idx_v)

    def fire(j, carry):
        pltpu.async_copy(ones_v, out_ref.at[idx_v.at[j]], sem)
        return carry

    lax.fori_loop(0, _NCHUNKS, fire, 0)

    def drain(j, carry):
        pltpu.make_async_copy(ones_v, out_ref.at[idx_v.at[0]], sem).wait()
        return carry

    lax.fori_loop(0, _NCHUNKS, drain, 0)


@jax.jit
def kernel(x):
    xa = x[:, 0::2]
    xb = x[:, 1::2]
    idx = pl.pallas_call(
        _idx_body,
        out_shape=jax.ShapeDtypeStruct((_B, _K), jnp.int32),
        grid=(_B // _BS_IDX,),
        in_specs=[
            pl.BlockSpec((_BS_IDX, _K), lambda g: (g, 0)),
            pl.BlockSpec((_BS_IDX, _K), lambda g: (g, 0)),
        ],
        out_specs=pl.BlockSpec((_BS_IDX, _K), lambda g: (g, 0)),
    )(xa, xb)
    idx3 = idx.reshape(_NW, _NCHUNKS, _CHUNK)

    zeros2d = pl.pallas_call(
        _zero_body,
        out_shape=jax.ShapeDtypeStruct((16000, 16000), jnp.float32),
        grid=(16000 // _ZR,),
        out_specs=pl.BlockSpec((_ZR, 16000), lambda g: (g, 0)),
    )()

    buf = jax.new_ref(zeros2d.reshape(_N))
    scatter = pl.kernel(
        _sc_body,
        out_type=(),
        mesh=plsc.VectorSubcoreMesh(core_axis_name="c", subcore_axis_name="s"),
        scratch_types=[
            pltpu.VMEM((_NCHUNKS, _CHUNK), jnp.int32),
            pltpu.VMEM((_CHUNK,), jnp.float32),
            pltpu.SemaphoreType.DMA,
        ],
    )
    scatter(buf, idx3)
    return buf[...].reshape(_B, _G, _G)

# --- scband reference (transcript-rebuilt; emitter-appended) ---
"""Pipeline reference for scband-cnn-61323543052332 (READ-ONLY COPY).

The authoritative reference and input builder live on the scoring server;
editing this copy changes nothing except your own understanding.
"""

import jax, jax.numpy as jnp
import numpy as np


def setup_inputs(seed: int = 0) -> dict:
    key = jax.random.key(seed)
    x = jax.random.normal(key, (4096, 136), dtype=jnp.float32)
    return {"x": x}


def reference(x):
    # F.normalize(x): L2-normalize along dim=1 with eps=1e-12
    norm = jnp.sqrt(jnp.sum(x * x, axis=1, keepdims=True))
    normalized = x / jnp.maximum(norm, 1e-12)
    formatted = jnp.round(normalized * 250.0).astype(jnp.int32)
    B = x.shape[0]
    # pairs (a, b) at even/odd positions; offset by +125 into a 250x250 grid
    a = formatted[:, 0::2] + 125
    b = formatted[:, 1::2] + 125
    bi = jnp.broadcast_to(jnp.arange(B)[:, None], a.shape)
    out = jnp.zeros((B, 250, 250), dtype=jnp.float32)
    # scatter-overwrite: x[i][a+125, b+125] = 1
    out = out.at[bi, a, b].set(1.0)
    return out

if __name__ == "__main__":
    import jax
    _d = setup_inputs()
    print(jax.jit(kernel)(*tuple(_d.values())))

</pallas_src>

<mosaic_0001>
#map = affine_map<(d0, d1) -> (0)>
#map1 = affine_map<(d0, d1) -> (0, 0, 0)>
module attributes {stable_mosaic.version = 14 : i64} {
  func.func @new_body(%arg0: i32, %arg1: i32, %arg2: memref<256000000xf32, #tpu.memory_space<hbm>>, %arg3: memref<32x68x128xi32, #tpu.memory_space<hbm>>, %arg4: memref<256000000xf32, #tpu.memory_space<hbm>>, %arg5: memref<68x128xi32, #tpu.memory_space<vmem>>, %arg6: memref<128xf32, #tpu.memory_space<vmem>>, %arg7: memref<!tpu.dma_semaphore, #tpu.memory_space<semaphore_mem>>) attributes {dimension_semantics = [#tpu.dimension_semantics<core_parallel>, #tpu.dimension_semantics<subcore_parallel>], iteration_bounds = array<i64: 2, 16>, scalar_prefetch = 0 : i64, scratch_operands = 3 : i64, tpu.core_type = #tpu.core_type<sc_vector_subcore>, window_params = [{transform_indices = #map}, {transform_indices = #map1}, {transform_indices = #map}]} {
    %mul3A = arith.constant 16 : i32
    %mul3A_0 = arith.muli %arg0, %mul3A : i32
    %add3A = arith.addi %mul3A_0, %arg1 : i32
    %broadcast_in_dim3A = arith.constant 1.000000e+00 : f32
    %broadcast_in_dim3A_1 = vector.broadcast %broadcast_in_dim3A : f32 to vector<16xf32>
    %swap3A = arith.constant 0 : index
    %swap3A_2 = tpu.vector_load %arg6[%swap3A] {strides = array<i32>} : memref<128xf32, #tpu.memory_space<vmem>>, vector<16xf32>,
    %swap3A_3 = vector.shape_cast %swap3A_2 : vector<16xf32> to vector<16xf32>
    %swap3A_4 = vector.shape_cast %broadcast_in_dim3A_1 : vector<16xf32> to vector<16xf32>
    tpu.vector_store %arg6[%swap3A], %swap3A_4 {strides = array<i32>} : memref<128xf32, #tpu.memory_space<vmem>>, vector<16xf32>,
    %broadcast_in_dim3A_5 = arith.constant 1.000000e+00 : f32
    %broadcast_in_dim3A_6 = vector.broadcast %broadcast_in_dim3A_5 : f32 to vector<16xf32>
    %swap3A_7 = arith.constant 16 : index
    %swap3A_8 = tpu.vector_load %arg6[%swap3A_7] {strides = array<i32>} : memref<128xf32, #tpu.memory_space<vmem>>, vector<16xf32>,
    %swap3A_9 = vector.shape_cast %swap3A_8 : vector<16xf32> to vector<16xf32>
    %swap3A_10 = vector.shape_cast %broadcast_in_dim3A_6 : vector<16xf32> to vector<16xf32>
    tpu.vector_store %arg6[%swap3A_7], %swap3A_10 {strides = array<i32>} : memref<128xf32, #tpu.memory_space<vmem>>, vector<16xf32>,
    %broadcast_in_dim3A_11 = arith.constant 1.000000e+00 : f32
    %broadcast_in_dim3A_12 = vector.broadcast %broadcast_in_dim3A_11 : f32 to vector<16xf32>
    %swap3A_13 = arith.constant 32 : index
    %swap3A_14 = tpu.vector_load %arg6[%swap3A_13] {strides = array<i32>} : memref<128xf32, #tpu.memory_space<vmem>>, vector<16xf32>,
    %swap3A_15 = vector.shape_cast %swap3A_14 : vector<16xf32> to vector<16xf32>
    %swap3A_16 = vector.shape_cast %broadcast_in_dim3A_12 : vector<16xf32> to vector<16xf32>
    tpu.vector_store %arg6[%swap3A_13], %swap3A_16 {strides = array<i32>} : memref<128xf32, #tpu.memory_space<vmem>>, vector<16xf32>,
    %broadcast_in_dim3A_17 = arith.constant 1.000000e+00 : f32
    %broadcast_in_dim3A_18 = vector.broadcast %broadcast_in_dim3A_17 : f32 to vector<16xf32>
    %swap3A_19 = arith.constant 48 : index
    %swap3A_20 = tpu.vector_load %arg6[%swap3A_19] {strides = array<i32>} : memref<128xf32, #tpu.memory_space<vmem>>, vector<16xf32>,
    %swap3A_21 = vector.shape_cast %swap3A_20 : vector<16xf32> to vector<16xf32>
    %swap3A_22 = vector.shape_cast %broadcast_in_dim3A_18 : vector<16xf32> to vector<16xf32>
    tpu.vector_store %arg6[%swap3A_19], %swap3A_22 {strides = array<i32>} : memref<128xf32, #tpu.memory_space<vmem>>, vector<16xf32>,
    %broadcast_in_dim3A_23 = arith.constant 1.000000e+00 : f32
    %broadcast_in_dim3A_24 = vector.broadcast %broadcast_in_dim3A_23 : f32 to vector<16xf32>
    %swap3A_25 = arith.constant 64 : index
    %swap3A_26 = tpu.vector_load %arg6[%swap3A_25] {strides = array<i32>} : memref<128xf32, #tpu.memory_space<vmem>>, vector<16xf32>,
    %swap3A_27 = vector.shape_cast %swap3A_26 : vector<16xf32> to vector<16xf32>
    %swap3A_28 = vector.shape_cast %broadcast_in_dim3A_24 : vector<16xf32> to vector<16xf32>
    tpu.vector_store %arg6[%swap3A_25], %swap3A_28 {strides = array<i32>} : memref<128xf32, #tpu.memory_space<vmem>>, vector<16xf32>,
    %broadcast_in_dim3A_29 = arith.constant 1.000000e+00 : f32
    %broadcast_in_dim3A_30 = vector.broadcast %broadcast_in_dim3A_29 : f32 to vector<16xf32>
    %swap3A_31 = arith.constant 80 : index
    %swap3A_32 = tpu.vector_load %arg6[%swap3A_31] {strides = array<i32>} : memref<128xf32, #tpu.memory_space<vmem>>, vector<16xf32>,
    %swap3A_33 = vector.shape_cast %swap3A_32 : vector<16xf32> to vector<16xf32>
    %swap3A_34 = vector.shape_cast %broadcast_in_dim3A_30 : vector<16xf32> to vector<16xf32>
    tpu.vector_store %arg6[%swap3A_31], %swap3A_34 {strides = array<i32>} : memref<128xf32, #tpu.memory_space<vmem>>, vector<16xf32>,
    %broadcast_in_dim3A_35 = arith.constant 1.000000e+00 : f32
    %broadcast_in_dim3A_36 = vector.broadcast %broadcast_in_dim3A_35 : f32 to vector<16xf32>
    %swap3A_37 = arith.constant 96 : index
    %swap3A_38 = tpu.vector_load %arg6[%swap3A_37] {strides = array<i32>} : memref<128xf32, #tpu.memory_space<vmem>>, vector<16xf32>,
    %swap3A_39 = vector.shape_cast %swap3A_38 : vector<16xf32> to vector<16xf32>
    %swap3A_40 = vector.shape_cast %broadcast_in_dim3A_36 : vector<16xf32> to vector<16xf32>
    tpu.vector_store %arg6[%swap3A_37], %swap3A_40 {strides = array<i32>} : memref<128xf32, #tpu.memory_space<vmem>>, vector<16xf32>,
    %broadcast_in_dim3A_41 = arith.constant 1.000000e+00 : f32
    %broadcast_in_dim3A_42 = vector.broadcast %broadcast_in_dim3A_41 : f32 to vector<16xf32>
    %swap3A_43 = arith.constant 112 : index
    %swap3A_44 = tpu.vector_load %arg6[%swap3A_43] {strides = array<i32>} : memref<128xf32, #tpu.memory_space<vmem>>, vector<16xf32>,
    %swap3A_45 = vector.shape_cast %swap3A_44 : vector<16xf32> to vector<16xf32>
    %swap3A_46 = vector.shape_cast %broadcast_in_dim3A_42 : vector<16xf32> to vector<16xf32>
    tpu.vector_store %arg6[%swap3A_43], %swap3A_46 {strides = array<i32>} : memref<128xf32, #tpu.memory_space<vmem>>, vector<16xf32>,
    "tpu.region"() ({
      %run_scoped3A = tpu.sem_alloc : memref<!tpu.dma_semaphore, #tpu.memory_space<semaphore_mem>>
      %dma_start3A = arith.constant 0 : i32
      %dma_start3A_58 = arith.constant 0 : i32
      %dma_start3A_59 = tpu.memref_slice %arg3[%add3A, %dma_start3A, %dma_start3A_58] : memref<32x68x128xi32, #tpu.memory_space<hbm>> -> memref<1x68x128xi32, #tpu.memory_space<hbm>>
      %dma_start3A_60 = tpu.memref_squeeze %dma_start3A_59 : memref<1x68x128xi32, #tpu.memory_space<hbm>> -> memref<68x128xi32, #tpu.memory_space<hbm>>
      %dma_start3A_61 = arith.constant 0 : i32
      %dma_start3A_62 = arith.constant 0 : i32
      %dma_start3A_63 = tpu.memref_slice %arg3[%add3A, %dma_start3A_61, %dma_start3A_62] : memref<32x68x128xi32, #tpu.memory_space<hbm>> -> memref<1x68x128xi32, #tpu.memory_space<hbm>>
      %dma_start3A_64 = tpu.memref_squeeze %dma_start3A_63 : memref<1x68x128xi32, #tpu.memory_space<hbm>> -> memref<68x128xi32, #tpu.memory_space<hbm>>
      tpu.enqueue_dma source(%dma_start3A_64 : memref<68x128xi32, #tpu.memory_space<hbm>>) target(%arg5 : memref<68x128xi32, #tpu.memory_space<vmem>>) target_semaphore(%run_scoped3A : memref<!tpu.dma_semaphore, #tpu.memory_space<semaphore_mem>>)
      %dma_wait3A = arith.constant 0 : i32
      %dma_wait3A_65 = arith.constant 0 : i32
      %dma_wait3A_66 = tpu.memref_slice %arg3[%add3A, %dma_wait3A, %dma_wait3A_65] : memref<32x68x128xi32, #tpu.memory_space<hbm>> -> memref<1x68x128xi32, #tpu.memory_space<hbm>>
      %dma_wait3A_67 = tpu.memref_squeeze %dma_wait3A_66 : memref<1x68x128xi32, #tpu.memory_space<hbm>> -> memref<68x128xi32, #tpu.memory_space<hbm>>
      %dma_wait3A_68 = arith.constant 0 : i32
      %dma_wait3A_69 = arith.constant 0 : i32
      %dma_wait3A_70 = tpu.memref_slice %arg3[%add3A, %dma_wait3A_68, %dma_wait3A_69] : memref<32x68x128xi32, #tpu.memory_space<hbm>> -> memref<1x68x128xi32, #tpu.memory_space<hbm>>
      %dma_wait3A_71 = tpu.memref_squeeze %dma_wait3A_70 : memref<1x68x128xi32, #tpu.memory_space<hbm>> -> memref<68x128xi32, #tpu.memory_space<hbm>>
      tpu.wait_dma2 semaphore(%run_scoped3A : memref<!tpu.dma_semaphore, #tpu.memory_space<semaphore_mem>>) src(%dma_wait3A_71 : memref<68x128xi32, #tpu.memory_space<hbm>>) dst(%arg5 : memref<68x128xi32, #tpu.memory_space<vmem>>)
      tpu.yield
    }) : () -> ()
    %scan3A = arith.constant 0 : i32
    %scan3A_47 = arith.constant 0 : i32
    %scan3A_48 = arith.constant 68 : i32
    %scan3A_49 = arith.addi %scan3A_47, %scan3A_48 : i32
    %scan3A_50 = arith.constant 1 : i32
    scf.for %scan3A_58 = %scan3A_47 to %scan3A_49 step %scan3A_50  : i32 {
      %dma_start3A = arith.constant 0 : i32
      %dma_start3A_59 = tpu.memref_slice %arg5[%scan3A_58, %dma_start3A] : memref<68x128xi32, #tpu.memory_space<vmem>> -> memref<1x128xi32, #tpu.memory_space<vmem>>
      %dma_start3A_60 = tpu.memref_squeeze %dma_start3A_59 : memref<1x128xi32, #tpu.memory_space<vmem>> -> memref<128xi32, #tpu.memory_space<vmem>>
      %dma_start3A_61 = arith.constant 0 : i32
      %dma_start3A_62 = tpu.memref_slice %arg2[%dma_start3A_61] : memref<256000000xf32, #tpu.memory_space<hbm>> -> memref<256000000xf32, #tpu.memory_space<hbm>>
      tpu.enqueue_indirect_dma source(%arg6 : memref<128xf32, #tpu.memory_space<vmem>>) target(%dma_start3A_62 : memref<256000000xf32, #tpu.memory_space<hbm>>) offsets(%dma_start3A_60 : memref<128xi32, #tpu.memory_space<vmem>>) semaphore(%arg7 : memref<!tpu.dma_semaphore, #tpu.memory_space<semaphore_mem>>)
    }
    %scan3A_51 = arith.constant 68 : i32
    %scan3A_52 = arith.constant 0 : i32
    %scan3A_53 = arith.constant 0 : i32
    %scan3A_54 = arith.constant 68 : i32
    %scan3A_55 = arith.addi %scan3A_53, %scan3A_54 : i32
    %scan3A_56 = arith.constant 1 : i32
    scf.for %scan3A_58 = %scan3A_53 to %scan3A_55 step %scan3A_56  : i32 {
      %dma_wait3A = arith.constant 0 : i32
      %dma_wait3A_59 = arith.constant 0 : i32
      %dma_wait3A_60 = tpu.memref_slice %arg5[%dma_wait3A, %dma_wait3A_59] : memref<68x128xi32, #tpu.memory_space<vmem>> -> memref<1x128xi32, #tpu.memory_space<vmem>>
      %dma_wait3A_61 = tpu.memref_squeeze %dma_wait3A_60 : memref<1x128xi32, #tpu.memory_space<vmem>> -> memref<128xi32, #tpu.memory_space<vmem>>
      %dma_wait3A_62 = arith.constant 0 : i32
      %dma_wait3A_63 = tpu.memref_slice %arg2[%dma_wait3A_62] : memref<256000000xf32, #tpu.memory_space<hbm>> -> memref<256000000xf32, #tpu.memory_space<hbm>>
      tpu.wait_indirect_dma semaphore(%arg7 : memref<!tpu.dma_semaphore, #tpu.memory_space<semaphore_mem>>) src(%arg6 : memref<128xf32, #tpu.memory_space<vmem>>) dst(%dma_wait3A_63 : memref<256000000xf32, #tpu.memory_space<hbm>>)
    }
    %scan3A_57 = arith.constant 68 : i32
    return
  }
}

module attributes {stable_mosaic.version = 14 : i64} {
  func.func @_zero_body(%arg0: i32, %arg1: memref<64x16000xf32, #tpu.memory_space<vmem>>) attributes {dimension_semantics = [#tpu.dimension_semantics<arbitrary>], iteration_bounds = array<i64: 250>, scalar_prefetch = 0 : i64, scratch_operands = 0 : i64, tpu.core_type = #tpu.core_type<tc>, window_params = [{transform_indices = @transform_0, window_bounds = array<i64: 64, 16000>}]} {
    %broadcast_in_dim3A = arith.constant 0.000000e+00 : f32
    %broadcast_in_dim3A_0 = vector.broadcast %broadcast_in_dim3A : f32 to vector<64x16000xf32>
    %swap3A = arith.constant 0 : index
    %swap3A_1 = arith.constant 0 : index
    %swap3A_2 = vector.load %arg1[%swap3A, %swap3A_1] : memref<64x16000xf32, #tpu.memory_space<vmem>>, vector<64x16000xf32>
    tpu.vector_store %arg1[%swap3A, %swap3A_1], %broadcast_in_dim3A_0 {strides = array<i32>} : memref<64x16000xf32, #tpu.memory_space<vmem>>, vector<64x16000xf32>,
    return
  }
  func.func @transform_0(%arg0: i32) -> (i32, i32) {
    %c0_i32 = arith.constant 0 : i32
    %c0_i32_0 = arith.constant 0 : i32
    return %arg0, %c0_i32 : i32, i32
  }
}

module attributes {stable_mosaic.version = 14 : i64} {
  func.func @_idx_body(%arg0: i32, %arg1: memref<256x68xf32, #tpu.memory_space<vmem>>, %arg2: memref<256x68xf32, #tpu.memory_space<vmem>>, %arg3: memref<256x68xi32, #tpu.memory_space<vmem>>) attributes {dimension_semantics = [#tpu.dimension_semantics<arbitrary>], iteration_bounds = array<i64: 16>, scalar_prefetch = 0 : i64, scratch_operands = 0 : i64, tpu.core_type = #tpu.core_type<tc>, window_params = [{transform_indices = @transform_0, window_bounds = array<i64: 256, 68>}, {transform_indices = @transform_1, window_bounds = array<i64: 256, 68>}, {transform_indices = @transform_2, window_bounds = array<i64: 256, 68>}]} {
    %get3A = arith.constant 0 : index
    %get3A_0 = arith.constant 0 : index
    %get3A_1 = vector.load %arg1[%get3A, %get3A_0] : memref<256x68xf32, #tpu.memory_space<vmem>>, vector<256x68xf32>
    %get3A_2 = arith.constant 0 : index
    %get3A_3 = arith.constant 0 : index
    %get3A_4 = vector.load %arg2[%get3A_2, %get3A_3] : memref<256x68xf32, #tpu.memory_space<vmem>>, vector<256x68xf32>
    %mul3A = arith.mulf %get3A_1, %get3A_1 : vector<256x68xf32>
    %mul3A_5 = arith.mulf %get3A_4, %get3A_4 : vector<256x68xf32>
    %add3A = arith.addf %mul3A, %mul3A_5 : vector<256x68xf32>
    %reduce_sum3A = arith.constant dense<0.000000e+00> : vector<256xf32>
    %reduce_sum3A_6 = vector.multi_reduction <add>, %add3A, %reduce_sum3A [1] : vector<256x68xf32> to vector<256xf32>
    %broadcast_in_dim3A = vector.shape_cast %reduce_sum3A_6 : vector<256xf32> to vector<256x1xf32>
    %sqrt3A = math.sqrt %broadcast_in_dim3A : vector<256x1xf32>
    %max3A = arith.constant 9.99999996E-13 : f32
    %max3A_7 = vector.broadcast %max3A : f32 to vector<256x1xf32>
    %max3A_8 = arith.maximumf %sqrt3A, %max3A_7 : vector<256x1xf32>
    %div3A = vector.broadcast %max3A_8 : vector<256x1xf32> to vector<256x68xf32>
    %div3A_9 = arith.divf %get3A_1, %div3A : vector<256x68xf32>
    %mul3A_10 = arith.constant 2.500000e+02 : f32
    %mul3A_11 = vector.broadcast %mul3A_10 : f32 to vector<256x68xf32>
    %mul3A_12 = arith.mulf %div3A_9, %mul3A_11 : vector<256x68xf32>
    %round3A = math.roundeven %mul3A_12 : vector<256x68xf32>
    %convert_element_type3A = arith.fptosi %round3A : vector<256x68xf32> to vector<256x68xi32>
    %add3A_13 = arith.constant 125 : i32
    %add3A_14 = vector.broadcast %add3A_13 : i32 to vector<256x68xi32>
    %add3A_15 = arith.addi %convert_element_type3A, %add3A_14 : vector<256x68xi32>
    %div3A_16 = vector.broadcast %max3A_8 : vector<256x1xf32> to vector<256x68xf32>
    %div3A_17 = arith.divf %get3A_4, %div3A_16 : vector<256x68xf32>
    %mul3A_18 = arith.constant 2.500000e+02 : f32
    %mul3A_19 = vector.broadcast %mul3A_18 : f32 to vector<256x68xf32>
    %mul3A_20 = arith.mulf %div3A_17, %mul3A_19 : vector<256x68xf32>
    %round3A_21 = math.roundeven %mul3A_20 : vector<256x68xf32>
    %convert_element_type3A_22 = arith.fptosi %round3A_21 : vector<256x68xf32> to vector<256x68xi32>
    %add3A_23 = arith.constant 125 : i32
    %add3A_24 = vector.broadcast %add3A_23 : i32 to vector<256x68xi32>
    %add3A_25 = arith.addi %convert_element_type3A_22, %add3A_24 : vector<256x68xi32>
    %mul3A_26 = arith.constant 256 : i32
    %mul3A_27 = arith.muli %arg0, %mul3A_26 : i32
    %iota3A = tpu.iota {dimensions = array<i32: 0>} : vector<256x68xi32>
    %add3A_28 = vector.broadcast %mul3A_27 : i32 to vector<256x68xi32>
    %add3A_29 = arith.addi %add3A_28, %iota3A : vector<256x68xi32>
    %mul3A_30 = arith.constant 62500 : i32
    %mul3A_31 = vector.broadcast %mul3A_30 : i32 to vector<256x68xi32>
    %mul3A_32 = arith.muli %add3A_29, %mul3A_31 : vector<256x68xi32>
    %mul3A_33 = arith.constant 250 : i32
    %mul3A_34 = vector.broadcast %mul3A_33 : i32 to vector<256x68xi32>
    %mul3A_35 = arith.muli %add3A_15, %mul3A_34 : vector<256x68xi32>
    %add3A_36 = arith.addi %mul3A_32, %mul3A_35 : vector<256x68xi32>
    %add3A_37 = arith.addi %add3A_36, %add3A_25 : vector<256x68xi32>
    %ge3A = arith.constant 0 : i32
    %ge3A_38 = vector.broadcast %ge3A : i32 to vector<256x68xi32>
    %ge3A_39 = arith.cmpi sge, %add3A_15, %ge3A_38 : vector<256x68xi32>
    %lt3A = arith.constant 250 : i32
    %lt3A_40 = vector.broadcast %lt3A : i32 to vector<256x68xi32>
    %lt3A_41 = arith.cmpi slt, %add3A_15, %lt3A_40 : vector<256x68xi32>
    %and3A = arith.andi %ge3A_39, %lt3A_41 : vector<256x68xi1>
    %ge3A_42 = arith.constant 0 : i32
    %ge3A_43 = vector.broadcast %ge3A_42 : i32 to vector<256x68xi32>
    %ge3A_44 = arith.cmpi sge, %add3A_25, %ge3A_43 : vector<256x68xi32>
    %and3A_45 = arith.andi %and3A, %ge3A_44 : vector<256x68xi1>
    %lt3A_46 = arith.constant 250 : i32
    %lt3A_47 = vector.broadcast %lt3A_46 : i32 to vector<256x68xi32>
    %lt3A_48 = arith.cmpi slt, %add3A_25, %lt3A_47 : vector<256x68xi32>
    %and3A_49 = arith.andi %and3A_45, %lt3A_48 : vector<256x68xi1>
    %jit3A = arith.constant 1073741824 : i32
    %broadcast_in_dim3A_50 = vector.broadcast %jit3A : i32 to vector<256x68xi32>
    %select_n3A = arith.select %and3A_49, %add3A_37, %broadcast_in_dim3A_50 : vector<256x68xi1>, vector<256x68xi32>
    %reduce_min3A = arith.constant dense<2147483647> : vector<256xi32>
    %reduce_min3A_51 = vector.multi_reduction <minsi>, %select_n3A, %reduce_min3A [1] : vector<256x68xi32> to vector<256xi32>
    %broadcast_in_dim3A_52 = vector.shape_cast %reduce_min3A_51 : vector<256xi32> to vector<256x1xi32>
    %min3A = arith.constant 255999999 : i32
    %min3A_53 = vector.broadcast %min3A : i32 to vector<256x1xi32>
    %min3A_54 = arith.minsi %broadcast_in_dim3A_52, %min3A_53 : vector<256x1xi32>
    %broadcast_in_dim3A_55 = vector.shape_cast %min3A_54 : vector<256x1xi32> to vector<256x1xi32>
    %broadcast_in_dim3A_56 = vector.broadcast %broadcast_in_dim3A_55 : vector<256x1xi32> to vector<256x68xi32>
    %select_n3A_57 = arith.select %and3A_49, %add3A_37, %broadcast_in_dim3A_56 : vector<256x68xi1>, vector<256x68xi32>
    %swap3A = arith.constant 0 : index
    %swap3A_58 = arith.constant 0 : index
    %swap3A_59 = vector.load %arg3[%swap3A, %swap3A_58] : memref<256x68xi32, #tpu.memory_space<vmem>>, vector<256x68xi32>
    tpu.vector_store %arg3[%swap3A, %swap3A_58], %select_n3A_57 {strides = array<i32>} : memref<256x68xi32, #tpu.memory_space<vmem>>, vector<256x68xi32>,
    return
  }
  func.func @transform_0(%arg0: i32) -> (i32, i32) {
    %c0_i32 = arith.constant 0 : i32
    %c0_i32_0 = arith.constant 0 : i32
    return %arg0, %c0_i32 : i32, i32
  }
  func.func @transform_1(%arg0: i32) -> (i32, i32) {
    %c0_i32 = arith.constant 0 : i32
    %c0_i32_0 = arith.constant 0 : i32
    return %arg0, %c0_i32 : i32, i32
  }
  func.func @transform_2(%arg0: i32) -> (i32, i32) {
    %c0_i32 = arith.constant 0 : i32
    %c0_i32_0 = arith.constant 0 : i32
    return %arg0, %c0_i32 : i32, i32
  }
}

</mosaic_0001>

<sc_bundles>
// kernel: kernel.5.cloned.1.call-start
scs
__scs_entry_jumppad:
0x0: {  	(pc) =	sbr.rel $0x88, $3  }
0x1: {  	(tag) =	ssettag $0x0;
	lr =	simm.s32 $0x1  }
0x2: {  	[smem:$0x3FA0] =	sst lr;
	_ =	strace $0xD0000000  }
0x3: {  	_ = 	snop  }
0x4: {  	_ = 	snop  }
0x5: {  	_ = 	snop  }
0x6: {  	_ = 	snop  }
0x7: {  	_ = 	snop  }
__scs_overlays_trampoline_lowered:
0x8: {  	[smem:$0x3FAF] =	sst s0  }
0x9: {  	[smem:$0x3FB0] =	sst s1  }
0xa: {  	[smem:$0x3FB1] =	sst s2  }
0xb: {  	[smem:$0x3FB2] =	sst s3  }
0xc: {  	[smem:$0x3FB3] =	sst s4  }
0xd: {  	[smem:$0x3FB4] =	sst s5  }
0xe: {  	[smem:$0x3FB5] =	sst s6  }
0xf: {  	[smem:$0x3FB6] =	sst s7  }
0x10: {  	[smem:$0x3FB7] =	sst s8  }
0x11: {  	[smem:$0x3FB8] =	sst s9;
	s0 =	simm.s32 @!p0 $0x0  }
0x12: {  	s1 =	sld [smem:$0x3F9E];
	s0 =	simm.s32 @p0 $0x1  }
0x13: {  	[smem:$0x3FB9] =	sst s0;
	s0 =	simm.s32 @!p1 $0x0  }
0x14: {  	s2 =	sld [smem:$0x3F9D];
	s0 =	simm.s32 @p1 $0x1  }
0x15: {  	[smem:$0x3FBA] =	sst s0;
	s0 =	simm.s32 @!p2 $0x0  }
0x16: {  	s3 =	sld [smem:$0x3FDB];
	s0 =	simm.s32 @p2 $0x1  }
0x17: {  	s4 =	simm.s32 $0x1BF5;
	[smem:$0x3FBC] =	sst s0  }
0x18: {  	s0 =	sld [smem:$0x3F9F];
	_ =	swait.ge [sflag:s4], $0x0  }
0x19: {  	s7 =	sld [smem:$0x3FA0]  }
0x1a: {  	s8 =	sadd.s32 $0xFFFFE003, lr  }
0x1b: {  	s9 =	sadd.s32 $0xFFFFFEF7, lr;
	s5 =	simm.s32 $0xFFFFFFFF;
	p2 =	slt.u32 s8, $0xFFFFF086  }
0x1c: {  	p1 =	slt.u32 s9, $0xF7A;
	s5 =	simm.s32 @!p2 $0x0  }
0x1d: {  	s5 =	simm.s32 @p1 $0x1;
	p0 =	seq.s32 s7, s2  }
0x1e: {  	s7 =	smul.u32 @!p0 $0xF7A, s2;
	p2 =	seq.s32 @!p0 s5, $0x0  }
0x1f: {  	s9 =	smul.u32 $0xF7A, s1;
	s8 =	simm.s32 @!p0 $0x1BF5;
	p2 =	por !p2, p0  }
0x20: {  	[sflag:s8] =	ssyncset.s32 @!p0 $0xFFFFF086;
	s6 =	sadd.s32 @!p0 s3, s7;
	s7 =	simm.s32 @!p0 $0x108  }
0x21: {  	s3 =	sadd.s32 s3, s9;
	s6 =	sadd.s32 @!p0 $0x88, s6;
	s7 =	simm.s32 @p2 $0x1082  }
0x22: {  	[simem:s7], [sflag:s8] =	dma.local @!p0 [hbm:s6], $0xF7A  }
0x23: {  	s9 =	sor.u32 $0xD0000000, s2;
	s6 =	simm.s32 $0x108;
	_ =	swait.ge @!p0 [sflag:s8], $0x0  }
0x24: {  	s3 =	sadd.s32 $0x88, s3;
	s6 =	simm.s32 @!p1 $0x1082;
	[sflag:s4] =	ssyncset.s32 $0xFFFFF086  }
0x25: {  	[simem:s6], [sflag:s4] =	dma.local [hbm:s3], $0xF7A  }
0x26: {  	[smem:$0x3FA0] =	sst s1;
	(tag) =	ssettag s2;
	_ =	strace s9  }
0x27: {  	s1 =	sld [smem:$0x3FB0]  }
0x28: {  	s2 =	sld [smem:$0x3FB1]  }
0x29: {  	s4 =	sld [smem:$0x3FB3]  }
0x2a: {  	p0 =	seq.s32 s5, $0x0;
	s5 =	sld [smem:$0x3FB4]  }
0x2b: {  	s6 =	sld [smem:$0x3FB5]  }
0x2c: {  	s7 =	sld [smem:$0x3FB6]  }
0x2d: {  	s3 =	simm.s32 $0x108;
	s8 =	sld [smem:$0x3FB7]  }
0x2e: {  	s3 =	simm.s32 @!p0 $0x1082;
	s9 =	sld [smem:$0x3FB8]  }
0x2f: {  	lr =	sadd.s32 s0, s3;
	s0 =	sld [smem:$0x3FAF]  }
0x30: {  	s3 =	sld [smem:$0x3FB2]  }
0x31: {  	[smem:$0x3FBB] =	sst s10  }
0x32: {  	s10 =	sld [smem:$0x3FB9];
	_ =	sdelay $0x3  }
0x33: {  	p0 =	seq.s32 s10, $0x1;
	s10 =	sld [smem:$0x3FBB];
	_ =	sdelay $0x3  }
0x34: {  	[smem:$0x3FBB] =	sst s10  }
0x35: {  	s10 =	sld [smem:$0x3FBA];
	_ =	sdelay $0x3  }
0x36: {  	p1 =	seq.s32 s10, $0x1;
	s10 =	sld [smem:$0x3FBB];
	_ =	sdelay $0x3  }
0x37: {  	[smem:$0x3FBB] =	sst s10  }
0x38: {  	s10 =	sld [smem:$0x3FBC]  }
0x39: {  	_ = 	snop;
	(pc) =	sbr.ind lr, $3  }
0x3a: {  	_ = 	snop  }
0x3b: {  	_ = 	snop  }
0x3c: {  	p2 =	seq.s32 s10, $0x1;
	s10 =	sld [smem:$0x3FBB]  }
0x3d: {  	_ =	shalt  }
0x3e: {  	_ =	shalt  }
0x3f: {  	_ =	shalt  }
0x40: {  	_ =	shalt  }
0x41: {  	_ =	shalt  }
0x42: {  	_ =	shalt  }
0x43: {  	_ =	shalt  }
0x44: {  	_ =	shalt  }
0x45: {  	_ =	shalt  }
0x46: {  	_ =	shalt  }
0x47: {  	_ =	shalt  }
0x48: {  	_ =	shalt  }
0x49: {  	_ =	shalt  }
0x4a: {  	_ =	shalt  }
0x4b: {  	_ =	shalt  }
0x4c: {  	_ =	shalt  }
0x4d: {  	_ =	shalt  }
0x4e: {  	_ =	shalt  }
0x4f: {  	_ =	shalt  }
0x50: {  	_ =	shalt  }
0x51: {  	_ =	shalt  }
0x52: {  	_ =	shalt  }
0x53: {  	_ =	shalt  }
0x54: {  	_ =	shalt  }
0x55: {  	_ =	shalt  }
0x56: {  	_ =	shalt  }
0x57: {  	_ =	shalt  }
0x58: {  	_ =	shalt  }
0x59: {  	_ =	shalt  }
0x5a: {  	_ =	shalt  }
0x5b: {  	_ =	shalt  }
0x5c: {  	_ =	shalt  }
0x5d: {  	_ =	shalt  }
0x5e: {  	_ =	shalt  }
0x5f: {  	_ =	shalt  }
0x60: {  	_ =	shalt  }
0x61: {  	_ =	shalt  }
0x62: {  	_ =	shalt  }
0x63: {  	_ =	shalt  }
0x64: {  	_ =	shalt  }
0x65: {  	_ =	shalt  }
0x66: {  	_ =	shalt  }
0x67: {  	_ =	shalt  }
0x68: {  	_ =	shalt  }
0x69: {  	_ =	shalt  }
0x6a: {  	_ =	shalt  }
0x6b: {  	_ =	shalt  }
0x6c: {  	_ =	shalt  }
0x6d: {  	_ =	shalt  }
0x6e: {  	_ =	shalt  }
0x6f: {  	_ =	shalt  }
0x70: {  	_ =	shalt  }
0x71: {  	_ =	shalt  }
0x72: {  	_ =	shalt  }
0x73: {  	_ =	shalt  }
0x74: {  	_ =	shalt  }
0x75: {  	_ =	shalt  }
0x76: {  	_ =	shalt  }
0x77: {  	_ =	shalt  }
0x78: {  	_ =	shalt  }
0x79: {  	_ =	shalt  }
0x7a: {  	_ =	shalt  }
0x7b: {  	_ =	shalt  }
0x7c: {  	_ =	shalt  }
0x7d: {  	_ =	shalt  }
0x7e: {  	_ =	shalt  }
0x7f: {  	_ =	shalt  }
0x80: {  	_ =	shalt  }
0x81: {  	_ =	shalt  }
0x82: {  	_ =	shalt  }
0x83: {  	_ =	shalt  }
0x84: {  	_ =	shalt  }
0x85: {  	_ =	shalt  }
0x86: {  	_ =	shalt  }
0x87: {  	_ =	shalt  }
.Lfunc_end0:
.L_simem_size_0:
called_computation_lowered:
.L_overlay_start_0:
0x88: {  	s2 =	sld [smem:$0x3FD9]  }
0x89: {  	s3 =	sld [smem:$0x3FFE];
	_ =	sdelay $0x1  }
0x8a: {  	s1 =	srdreg.scid  }
0x8b: {  	s0 =	sand.u32 $0x1, s1  }
0x8c: {  	s16 =	sshll.u32 s0, $0xA;
	s2 =	sadd.s32 s3, s2  }
0x8d: {  	s2 =	sadd.s32 s2, s16  }
0x8e: {  	[smem:$0x3FC7] =	sst s2  }
0x8f: {  	_ = 	snop  }
0x90: {  	(tm) =	ssettm $0x1  }
0x91: {  	s17 =	sld [smem:$0x3FFB];
	_ =	sdelay $0x3  }
0x92: {  	_ =	strace s17  }
0x93: {  	s2 =	sld [smem:$0x3FFC];
	_ =	sdelay $0x3  }
0x94: {  	_ =	strace s2  }
0x95: {  	s2 =	sld [smem:$0x3FFD];
	_ =	sdelay $0x3  }
0x96: {  	_ =	strace s2  }
0x97: {  	_ =	strace $0x8FFFFFFF  }
0x98: {  	s18 =	sld [smem:$0x3FDB];
	_ =	sdelay $0x1  }
0x99: {  	s19 =	simm.s32 $_scs_section_size  }
0x9a: {  	s4 =	simm.s32 $_size__tile_overlayer_lowered;
	s5 =	simm.s32 $_tile_overlayer_lowered  }
0x9b: {  	s22 =	simm.s32 $0x1BFF;
	s21 =	sshll.u32 s5, $0x1;
	s2 =	sadd.s32 s19, s18  }
0x9c: {  	s6 =	simm.s32 $0x0;
	s20 =	sshll.u32 s4, $0x1;
	s4 =	sadd.s32 s21, s2  }
0x9d: {  	[timem:s6], [sflag:s22] =	dma.local [hbm:s4], s20  }
0x9e: {  	_ =	swait.ge [sflag:s22], s20  }
0x9f: {  	s3 =	ssub.s32 $0x0, s20;
	[sflag:s22] =	ssyncset.done $0x0  }
0xa0: {  	[sflag:s22] =	ssyncadd.s32 s3;
	_ =	sdelay $0x1  }
0xa1: {  	s23 =	simm.s32 $0x1B8B  }
0xa2: {  	_ =	swait.ge [sflag:s23], $0x1  }
0xa3: {  	[sflag:s23] =	ssyncset.done $0x0  }
0xa4: {  	s25 =	simm.s32 $0x1B8E;
	s24 =	sld [smem:$0x3FFE];
	[sflag:s23] =	ssyncadd.s32 $0xFFFFFFFF  }
0xa5: {  	s26 =	simm.s32 $execute0_lowered;
	[smem:$0x3FD2] =	sst s25  }
0xa6: {  	s4 =	sshll.u32 s26, $0x1;
	_ =	strace $0x80000046;
	[dreg:$0x1] =	wrdreg $0xFFFFFFFF  }
0xa7: {  	s28 =	simm.s32 $_size_execute0_lowered;
	s2 =	sadd.s32 s2, s4;
	[dreg:$0x0] =	wrdreg $0x0  }
0xa8: {  	s4 =	sshll.u32 s28, $0x1;
	[dreg:$0x2] =	wrdreg s2  }
0xa9: {  	[dreg:$0x3] =	wrdreg s4  }
0xaa: {  	[dreg:$0x4] =	wrdreg $0xC0  }
0xab: {  	_ =	task [dreg:s6], $0x5FFFF  }
0xac: {  	[dreg:$0x1] =	wrdreg $0xFFFFFFFF  }
0xad: {  	[dreg:$0x0] =	wrdreg $0x60  }
0xae: {  	[dreg:$0x2] =	wrdreg s24  }
0xaf: {  	[dreg:$0x3] =	wrdreg $0x9  }
0xb0: {  	_ =	task.clear_ibuf [dreg:s6], $0x4FFFF;
	_ =	strace $0x90000046  }
0xb1: {  	s29 =	simm.s32 $0x9;
	_ =	strace $0x80000048  }
0xb2: {  	_ =	swait.ge [sflag:s29], $0x1  }
0xb3: {  	[sflag:s29] =	ssyncadd.s32 $0xFFFFFFFF  }
0xb4: {  	_ =	strace $0x90000048  }
0xb5: {  	_ =	sfence  }
0xb6: {  	s30 =	sld [smem:$0x0];
	_ =	sdelay $0x2  }
0xb7: {  	s31 =	sshll.u32 s1, $0xD;
	s1 =	sshrl.u32 s1, $0x2  }
0xb8: {  	s3 =	sand.u32 $0x4000, s31;
	s1 =	sadd.s32 s1, s30  }
0xb9: {  	s0 =	sor.u32 s3, s0;
	s1 =	sshll.u32 s1, $0x11  }
0xba: {  	s0 =	sor.u32 s1, s0  }
0xbb: {  	s0 =	sadd.s32 $0x8F2B, s0  }
0xbc: {  	[sflag:s0] =	ssyncadd.remote.s32 $0x1  }
0xbd: {  	_ =	sfence.sel $0xFFFF  }
0xbe: {  	[dreg:$0x0] =	wrdreg $0xFFFFFFFF;
	(pc) =	sbr.abs _section_cstart, $3  }
0xbf: {  	[dreg:$0x1] =	wrdreg $0xFFFFFFFF  }
0xc0: {  	_ =	task.clear_ibuf [dreg:s6], $0x2FFFF;
	_ =	strace $0x9FFFFFFF  }
0xc1: {  	(tm) =	ssettm $0x7FFFFFFF  }
tec
execute0_lowered:
.L_overlay_start_1:
0x0: {  	(tag) =	ssettag $0x1  }
0x1: {  	s0 =	srdreg.scid;
	s4 =	rddreg [dreg:$0x0]  }
0x2: {  	s2 =	simm.s32 $0x0;
	s8 =	simm.s32 $0x2400;
	s3 =	sand.u32 $0x1, s0  }
0x3: {  	s9 =	simm.s32 $0x1;
	s0 =	stileid.u32;
	s1 =	sshll.u32 s3, $0x4  }
0x4: {  	s10 =	simm.s32 $0x0;
	[smem:$0x7FF] =	sst s2;
	s5 =	sor.u32 s0, s1  }
0x5: {  	s6 =	ssub.s32 $0x2, s3;
	s3 =	sadd.s32 $0x9A00, s4;
	s5 =	smul.u32 $0x480, s5  }
0x6: {  	s1 =	rddreg [dreg:$0x1];
	_ =	strace $0x80000047;
	s7 =	sshrl.u32 s6, $0x1  }
0x7: {  	s6 =	ssub.s32 s6, s7;
	s7 =	simm.s32 $0x80;
	s5 =	sadd.s32 s5, s4  }
0x8: {  	v0 =	vimm.f32 $1.000000000e+00;
	s4 =	sadd.s32 $0xA00, s5;
	s5 =	smax.u32 s6, $0x1;
	s6 =	simm.s32 $0x2  }
.LBB2_1:
0x9: {  	[tilespmem:$0x2400] =	vst v0  }
0xa: {  	[tilespmem:$0x2410] =	vst v0  }
0xb: {  	[tilespmem:$0x2420] =	vst v0  }
0xc: {  	[tilespmem:$0x2430] =	vst v0  }
0xd: {  	[tilespmem:$0x2440] =	vst v0  }
0xe: {  	[tilespmem:$0x2450] =	vst v0  }
0xf: {  	[tilespmem:$0x2460] =	vst v0  }
0x10: {  	[tilespmem:$0x2470] =	vst v0  }
0x11: {  	[tilespmem:s2], [sflag:$0x2] =	stream.linear.gather [hbm4b:s4+s2], $0x2200, $0x38;
	[tilespmem:$0x2480] =	vst v63  }
0x12: {  	_ =	swait.ge [sflag:s6], $0x2200  }
0x13: {  	[sflag:s6] =	ssyncset.done $0x0  }
0x14: {  	s11 =	simm.s32 $0x0;
	[sflag:s6] =	ssyncadd.s32 $0xFFFFDE00  }
.LBB2_2:
0x15: {  	p0 =	sne.s32 s11, $0x8600  }
.Ltmp0:
0x16: {  	_ = 	snop;
	(pc) =	sbr.rel @p0 .LBB2_2-.Ltmp0, $3  }
0x17: {  	_ =	sdelay $0x1  }
0x18: {  	s12 =	sshra.s32 s11, $0x2;
	s11 =	sadd.s32 $0x200, s11  }
0x19: {  	[hbm4b:s3+s7] =	stream.indirect.scatter [tilespmem:s8], [sflag:$0x1], $0x1, s12, s7, $0xb8;
	[tilespmem:$0x2480] =	vst v63  }
0x1a: {  	_ =	swait.ge [sflag:s9], $0x80  }
0x1b: {  	s11 =	simm.s32 $0x43;
	[sflag:s9] =	ssyncset.done $0x0  }
.LBB2_4:
0x1c: {  	p0 =	sne.s32 s11, $0x1;
	s11 =	sadd.s32 $0xFFFFFFFF, s11;
	[sflag:s9] =	ssyncadd.s32 $0xFFFFFF80  }
.Ltmp1:
0x1d: {  	(pc) =	sbr.rel @p0 .LBB2_4-.Ltmp1, $3  }
0x1e: {  	_ =	sdelay $0x1  }
0x1f: {  	_ =	swait.ge [sflag:s9], $0x80  }
0x20: {  	[sflag:s9] =	ssyncset.done $0x0  }
0x21: {  	s10 =	sadd.s32 $0x1, s10  }
0x22: {  	p0 =	sne.s32 s10, s5  }
.Ltmp2:
0x23: {  	_ = 	snop;
	(pc) =	sbr.rel @p0 .LBB2_1-.Ltmp2, $2  }
0x24: {  	_ =	sdelay $0x2  }
0x25: {  	[sflag:s9] =	ssyncadd.s32 $0xFFFFFF80  }
0x26: {  	_ =	sfence.sel $0x180000  }
0x27: {  	[bflag:$0x0] =	sbarrier.arrive $0xFFFF  }
0x28: {  	p0 =	sne.s32 s0, $0x0;
	_ =	strace $0x90000047  }
0x29: {  	s0 =	sadd.s32 @!p0 $0x100000, s1;
	[bflag:$0x2] =	sbarrier.arrive $0xFFFF  }
0x2a: {  	[sflag:s0] =	ssyncadd.tile.s32 @!p0 $0x1;
	_ =	shalt  }
.Lfunc_end2:
_tile_overlayer_lowered:
.L_overlay_start_2:
0x2b: {  	(tag) =	ssettag $0x2  }
0x2c: {  	s0 =	rddreg [dreg:$0x0];
	s2 =	stileid.u32  }
0x2d: {  	s1 =	rddreg [dreg:$0x1];
	p0 =	sne.s32 s2, $0x0  }
0x2e: {  	s3 =	rddreg [dreg:$0x2];
	[bflag:$0x3] =	sbarrier.arrive $0xFFFF;
	s2 =	simm.s32 @!p0 $0x1C02  }
0x2f: {  	[timem:s3], [sflag:s2] =	dma.local @!p0 [hbm:s0], s1  }
0x30: {  	s0 =	simm.s32 @!p0 $0x2  }
0x31: {  	_ =	swait.ge @!p0 [sflag:s0], s1  }
0x32: {  	s1 =	ssub.s32 @!p0 $0x0, s1;
	[sflag:s0] =	ssyncset.done @!p0 $0x0  }
0x33: {  	[sflag:s0] =	ssyncadd.s32 @!p0 s1  }
0x34: {  	[bflag:$0x3] =	sbarrier.arrive $0xFFFF  }
0x35: {  	_ =	shalt  }

</sc_bundles>
